<compile_context>
chip_gen: v7x
topology: tpu7x:2x2x1
jax: 0.10.2.dev20260603
libtpu: 0.0.44.dev20260713+nightly
codegen_flags: <defaults>
</compile_context>

<pallas_src>
import functools

import jax
import jax.numpy as jnp
from jax import lax
from jax.experimental import pallas as pl
from jax.experimental.pallas import tpu as pltpu
from jax.experimental.pallas import tpu_sc as plsc

_N = 1048576
_NTAB = 1000
_TAB_PAD = 1008
_LANES = 16
_SIZES = (16384, 16384)
_MAXCHUNK = max(_SIZES)


@functools.lru_cache(maxsize=None)
def _build_kernel():
    info = plsc.get_sparse_core_info()
    num_cores = info.num_cores
    num_subcores = info.num_subcores
    num_workers = num_cores * num_subcores
    per_worker = _N // num_workers
    assert sum(_SIZES) == per_worker
    n_chunks = len(_SIZES)
    offs = [sum(_SIZES[:i]) for i in range(n_chunks)]

    mesh = plsc.VectorSubcoreMesh(core_axis_name="c", subcore_axis_name="s")

    @functools.partial(
        pl.kernel,
        mesh=mesh,
        out_type=jax.ShapeDtypeStruct((_N,), jnp.float32),
        compiler_params=pltpu.CompilerParams(needs_layout_passes=False),
        scratch_types=[
            pltpu.VMEM((_TAB_PAD,), jnp.float32),
            pltpu.VMEM((_TAB_PAD,), jnp.float32),
            pltpu.VMEM((2, _MAXCHUNK), jnp.int32),
            pltpu.VMEM((2, _MAXCHUNK), jnp.float32),
            pltpu.SemaphoreType.DMA,
            pltpu.SemaphoreType.DMA,
            pltpu.SemaphoreType.DMA,
            pltpu.SemaphoreType.DMA,
        ],
    )
    def sigma_kernel(ts_hbm, ls_hbm, out_hbm, logt_v, sigt_v, idx_v, res_v,
                     in_sem0, in_sem1, out_sem0, out_sem1):
        wid = lax.axis_index("s") * num_cores + lax.axis_index("c")
        base = wid * per_worker
        in_sems = (in_sem0, in_sem1)
        out_sems = (out_sem0, out_sem1)

        def in_copy(c):
            return pltpu.make_async_copy(
                ts_hbm.at[pl.ds(base + offs[c], _SIZES[c])],
                idx_v.at[c % 2, pl.ds(0, _SIZES[c])],
                in_sems[c % 2],
            )

        def out_copy(c):
            return pltpu.make_async_copy(
                res_v.at[c % 2, pl.ds(0, _SIZES[c])],
                out_hbm.at[pl.ds(base + offs[c], _SIZES[c])],
                out_sems[c % 2],
            )

        tab_copy = pltpu.make_async_copy(
            ls_hbm, logt_v.at[pl.ds(0, _NTAB)], out_sem0)
        tab_copy.start()
        in_copy(0).start()
        tab_copy.wait()

        @plsc.parallel_loop(0, _TAB_PAD, _LANES, unroll=4)
        def exp_body(i):
            sl = pl.ds(i, _LANES)
            sigt_v[sl] = jnp.exp(logt_v[sl])

        for c in range(n_chunks):
            buf = c % 2
            if c + 1 < n_chunks:
                in_copy(c + 1).start()
            in_copy(c).wait()
            if c >= 2:
                out_copy(c - 2).wait()

            @plsc.parallel_loop(0, _SIZES[c], _LANES, unroll=8)
            def gather_body(j, _buf=buf):
                sl = pl.ds(j, _LANES)
                idx = idx_v[_buf, sl]
                res_v[_buf, sl] = plsc.load_gather(sigt_v, [idx])

            out_copy(c).start()

        out_copy(n_chunks - 2).wait()
        out_copy(n_chunks - 1).wait()

    return sigma_kernel


def kernel(timestep, log_sigmas):
    return _build_kernel()(timestep, log_sigmas)

# --- scband reference (transcript-rebuilt; emitter-appended) ---
"""Pipeline reference for scband-model-sampling-discrete-15556371547000 (READ-ONLY COPY).

The authoritative reference and input builder live on the scoring server;
editing this copy changes nothing except your own understanding.
"""

import jax, jax.numpy as jnp
import numpy as np


def _make_log_sigmas():
    # SDXL defaults: linear beta schedule, linear_start=0.00085, linear_end=0.012, 1000 steps
    betas = np.linspace(0.00085 ** 0.5, 0.012 ** 0.5, 1000, dtype=np.float64) ** 2
    alphas = 1.0 - betas
    alphas_cumprod = np.cumprod(alphas)
    sigmas = ((1.0 - alphas_cumprod) / alphas_cumprod) ** 0.5
    return jnp.asarray(np.log(sigmas), dtype=jnp.float32)


def setup_inputs(seed: int = 0) -> dict:
    key = jax.random.key(seed)
    timestep = jax.random.randint(key, (1048576,), 0, 1000, dtype=jnp.int32)
    log_sigmas = _make_log_sigmas()
    return {"timestep": timestep, "log_sigmas": log_sigmas}


def reference(timestep, log_sigmas):
    # ModelSamplingDiscrete.sigma(timestep): log-space linear interpolation
    n = log_sigmas.shape[0]
    t = jnp.clip(timestep.astype(jnp.float32), 0.0, float(n - 1))
    low_idx = jnp.floor(t).astype(jnp.int32)
    high_idx = jnp.ceil(t).astype(jnp.int32)
    w = t - jnp.floor(t)
    log_sigma = (1.0 - w) * jnp.take(log_sigmas, low_idx) + w * jnp.take(log_sigmas, high_idx)
    return jnp.exp(log_sigma)

if __name__ == "__main__":
    import jax
    _d = setup_inputs()
    print(jax.jit(kernel)(*tuple(_d.values())))

</pallas_src>

<mosaic_0001>
#map = affine_map<(d0, d1) -> (0)>
module attributes {stable_mosaic.version = 14 : i64} {
  func.func @sigma_kernel(%arg0: i32, %arg1: i32, %arg2: memref<1048576xi32, #tpu.memory_space<hbm>>, %arg3: memref<1000xf32, #tpu.memory_space<hbm>>, %arg4: memref<1048576xf32, #tpu.memory_space<hbm>>, %arg5: memref<1008xf32, #tpu.memory_space<vmem>>, %arg6: memref<1008xf32, #tpu.memory_space<vmem>>, %arg7: memref<2x16384xi32, #tpu.memory_space<vmem>>, %arg8: memref<2x16384xf32, #tpu.memory_space<vmem>>, %arg9: memref<!tpu.dma_semaphore, #tpu.memory_space<semaphore_mem>>, %arg10: memref<!tpu.dma_semaphore, #tpu.memory_space<semaphore_mem>>, %arg11: memref<!tpu.dma_semaphore, #tpu.memory_space<semaphore_mem>>, %arg12: memref<!tpu.dma_semaphore, #tpu.memory_space<semaphore_mem>>) attributes {dimension_semantics = [#tpu.dimension_semantics<core_parallel>, #tpu.dimension_semantics<subcore_parallel>], iteration_bounds = array<i64: 2, 16>, scalar_prefetch = 0 : i64, scratch_operands = 8 : i64, tpu.core_type = #tpu.core_type<sc_vector_subcore>, window_params = [{transform_indices = #map}, {transform_indices = #map}, {transform_indices = #map}]} {
    %mul3A = arith.constant 2 : i32
    %mul3A_0 = arith.muli %arg1, %mul3A : i32
    %add3A = arith.addi %mul3A_0, %arg0 : i32
    %mul3A_1 = arith.constant 32768 : i32
    %mul3A_2 = arith.muli %add3A, %mul3A_1 : i32
    %dma_start3A = arith.constant 0 : i32
    %dma_start3A_3 = tpu.memref_slice %arg5[%dma_start3A] : memref<1008xf32, #tpu.memory_space<vmem>> -> memref<1000xf32, #tpu.memory_space<vmem>>
    %dma_start3A_4 = arith.constant 0 : i32
    %dma_start3A_5 = tpu.memref_slice %arg5[%dma_start3A_4] : memref<1008xf32, #tpu.memory_space<vmem>> -> memref<1000xf32, #tpu.memory_space<vmem>>
    tpu.enqueue_dma source(%arg3 : memref<1000xf32, #tpu.memory_space<hbm>>) target(%dma_start3A_5 : memref<1000xf32, #tpu.memory_space<vmem>>) target_semaphore(%arg11 : memref<!tpu.dma_semaphore, #tpu.memory_space<semaphore_mem>>)
    %add3A_6 = arith.constant 0 : i32
    %add3A_7 = arith.addi %mul3A_2, %add3A_6 : i32
    %dma_start3A_8 = arith.constant 0 : i32
    %dma_start3A_9 = arith.constant 0 : i32
    %dma_start3A_10 = tpu.memref_slice %arg7[%dma_start3A_8, %dma_start3A_9] : memref<2x16384xi32, #tpu.memory_space<vmem>> -> memref<1x16384xi32, #tpu.memory_space<vmem>>
    %dma_start3A_11 = tpu.memref_squeeze %dma_start3A_10 : memref<1x16384xi32, #tpu.memory_space<vmem>> -> memref<16384xi32, #tpu.memory_space<vmem>>
    %dma_start3A_12 = tpu.memref_slice %arg2[%add3A_7] : memref<1048576xi32, #tpu.memory_space<hbm>> -> memref<16384xi32, #tpu.memory_space<hbm>>
    %dma_start3A_13 = arith.constant 0 : i32
    %dma_start3A_14 = tpu.memref_slice %arg7[%dma_start3A_8, %dma_start3A_13] : memref<2x16384xi32, #tpu.memory_space<vmem>> -> memref<1x16384xi32, #tpu.memory_space<vmem>>
    %dma_start3A_15 = tpu.memref_squeeze %dma_start3A_14 : memref<1x16384xi32, #tpu.memory_space<vmem>> -> memref<16384xi32, #tpu.memory_space<vmem>>
    %dma_start3A_16 = tpu.memref_slice %arg2[%add3A_7] : memref<1048576xi32, #tpu.memory_space<hbm>> -> memref<16384xi32, #tpu.memory_space<hbm>>
    tpu.enqueue_dma source(%dma_start3A_16 : memref<16384xi32, #tpu.memory_space<hbm>>) target(%dma_start3A_15 : memref<16384xi32, #tpu.memory_space<vmem>>) target_semaphore(%arg9 : memref<!tpu.dma_semaphore, #tpu.memory_space<semaphore_mem>>)
    %dma_wait3A = arith.constant 0 : i32
    %dma_wait3A_17 = tpu.memref_slice %arg5[%dma_wait3A] : memref<1008xf32, #tpu.memory_space<vmem>> -> memref<1000xf32, #tpu.memory_space<vmem>>
    %dma_wait3A_18 = arith.constant 0 : i32
    %dma_wait3A_19 = tpu.memref_slice %arg5[%dma_wait3A_18] : memref<1008xf32, #tpu.memory_space<vmem>> -> memref<1000xf32, #tpu.memory_space<vmem>>
    tpu.wait_dma2 semaphore(%arg11 : memref<!tpu.dma_semaphore, #tpu.memory_space<semaphore_mem>>) src(%arg3 : memref<1000xf32, #tpu.memory_space<hbm>>) dst(%dma_wait3A_19 : memref<1000xf32, #tpu.memory_space<vmem>>)
    %parallel_loop3A = arith.constant 0 : i32
    %parallel_loop3A_20 = arith.constant 1008 : i32
    %parallel_loop3A_21 = arith.constant 16 : i32
    scf.for %parallel_loop3A_105 = %parallel_loop3A to %parallel_loop3A_20 step %parallel_loop3A_21  : i32 {
      %parallel_loop3A_106 = arith.index_cast %parallel_loop3A_105 : i32 to index
      %parallel_loop3A_107 = tpu.vector_load %arg5[%parallel_loop3A_106] {strides = array<i32>} : memref<1008xf32, #tpu.memory_space<vmem>>, vector<16xf32>,
      %parallel_loop3A_108 = math.exp %parallel_loop3A_107 : vector<16xf32>
      %parallel_loop3A_109 = arith.index_cast %parallel_loop3A_105 : i32 to index
      %parallel_loop3A_110 = tpu.vector_load %arg6[%parallel_loop3A_109] {strides = array<i32>} : memref<1008xf32, #tpu.memory_space<vmem>>, vector<16xf32>,
      tpu.vector_store %arg6[%parallel_loop3A_109], %parallel_loop3A_108 {strides = array<i32>} : memref<1008xf32, #tpu.memory_space<vmem>>, vector<16xf32>,
    } {sc.loop_unroll_factor = 4 : i64, sc.parallel_access}
    %add3A_22 = arith.constant 16384 : i32
    %add3A_23 = arith.addi %mul3A_2, %add3A_22 : i32
    %dma_start3A_24 = arith.constant 1 : i32
    %dma_start3A_25 = arith.constant 0 : i32
    %dma_start3A_26 = tpu.memref_slice %arg7[%dma_start3A_24, %dma_start3A_25] : memref<2x16384xi32, #tpu.memory_space<vmem>> -> memref<1x16384xi32, #tpu.memory_space<vmem>>
    %dma_start3A_27 = tpu.memref_squeeze %dma_start3A_26 : memref<1x16384xi32, #tpu.memory_space<vmem>> -> memref<16384xi32, #tpu.memory_space<vmem>>
    %dma_start3A_28 = tpu.memref_slice %arg2[%add3A_23] : memref<1048576xi32, #tpu.memory_space<hbm>> -> memref<16384xi32, #tpu.memory_space<hbm>>
    %dma_start3A_29 = arith.constant 0 : i32
    %dma_start3A_30 = tpu.memref_slice %arg7[%dma_start3A_24, %dma_start3A_29] : memref<2x16384xi32, #tpu.memory_space<vmem>> -> memref<1x16384xi32, #tpu.memory_space<vmem>>
    %dma_start3A_31 = tpu.memref_squeeze %dma_start3A_30 : memref<1x16384xi32, #tpu.memory_space<vmem>> -> memref<16384xi32, #tpu.memory_space<vmem>>
    %dma_start3A_32 = tpu.memref_slice %arg2[%add3A_23] : memref<1048576xi32, #tpu.memory_space<hbm>> -> memref<16384xi32, #tpu.memory_space<hbm>>
    tpu.enqueue_dma source(%dma_start3A_32 : memref<16384xi32, #tpu.memory_space<hbm>>) target(%dma_start3A_31 : memref<16384xi32, #tpu.memory_space<vmem>>) target_semaphore(%arg10 : memref<!tpu.dma_semaphore, #tpu.memory_space<semaphore_mem>>)
    %add3A_33 = arith.constant 0 : i32
    %add3A_34 = arith.addi %mul3A_2, %add3A_33 : i32
    %dma_wait3A_35 = arith.constant 0 : i32
    %dma_wait3A_36 = arith.constant 0 : i32
    %dma_wait3A_37 = tpu.memref_slice %arg7[%dma_wait3A_35, %dma_wait3A_36] : memref<2x16384xi32, #tpu.memory_space<vmem>> -> memref<1x16384xi32, #tpu.memory_space<vmem>>
    %dma_wait3A_38 = tpu.memref_squeeze %dma_wait3A_37 : memref<1x16384xi32, #tpu.memory_space<vmem>> -> memref<16384xi32, #tpu.memory_space<vmem>>
    %dma_wait3A_39 = tpu.memref_slice %arg2[%add3A_34] : memref<1048576xi32, #tpu.memory_space<hbm>> -> memref<16384xi32, #tpu.memory_space<hbm>>
    %dma_wait3A_40 = arith.constant 0 : i32
    %dma_wait3A_41 = tpu.memref_slice %arg7[%dma_wait3A_35, %dma_wait3A_40] : memref<2x16384xi32, #tpu.memory_space<vmem>> -> memref<1x16384xi32, #tpu.memory_space<vmem>>
    %dma_wait3A_42 = tpu.memref_squeeze %dma_wait3A_41 : memref<1x16384xi32, #tpu.memory_space<vmem>> -> memref<16384xi32, #tpu.memory_space<vmem>>
    %dma_wait3A_43 = tpu.memref_slice %arg2[%add3A_34] : memref<1048576xi32, #tpu.memory_space<hbm>> -> memref<16384xi32, #tpu.memory_space<hbm>>
    tpu.wait_dma2 semaphore(%arg9 : memref<!tpu.dma_semaphore, #tpu.memory_space<semaphore_mem>>) src(%dma_wait3A_43 : memref<16384xi32, #tpu.memory_space<hbm>>) dst(%dma_wait3A_42 : memref<16384xi32, #tpu.memory_space<vmem>>)
    %parallel_loop3A_44 = arith.constant 0 : i32
    %parallel_loop3A_45 = arith.constant 16384 : i32
    %parallel_loop3A_46 = arith.constant 16 : i32
    scf.for %parallel_loop3A_105 = %parallel_loop3A_44 to %parallel_loop3A_45 step %parallel_loop3A_46  : i32 {
      %parallel_loop3A_106 = arith.constant 0 : i32
      %parallel_loop3A_107 = arith.index_cast %parallel_loop3A_106 : i32 to index
      %parallel_loop3A_108 = arith.index_cast %parallel_loop3A_105 : i32 to index
      %parallel_loop3A_109 = tpu.vector_load %arg7[%parallel_loop3A_107, %parallel_loop3A_108] {strides = array<i32>} : memref<2x16384xi32, #tpu.memory_space<vmem>>, vector<16xi32>,
      %parallel_loop3A_110 = tpu.vector_load_idx %arg6[%parallel_loop3A_109] : memref<1008xf32, #tpu.memory_space<vmem>>[vector<16xi32>], vector<16xf32>,
      %parallel_loop3A_111 = arith.constant 0 : i32
      %parallel_loop3A_112 = arith.index_cast %parallel_loop3A_111 : i32 to index
      %parallel_loop3A_113 = arith.index_cast %parallel_loop3A_105 : i32 to index
      %parallel_loop3A_114 = tpu.vector_load %arg8[%parallel_loop3A_112, %parallel_loop3A_113] {strides = array<i32>} : memref<2x16384xf32, #tpu.memory_space<vmem>>, vector<16xf32>,
      tpu.vector_store %arg8[%parallel_loop3A_112, %parallel_loop3A_113], %parallel_loop3A_110 {strides = array<i32>} : memref<2x16384xf32, #tpu.memory_space<vmem>>, vector<16xf32>,
    } {sc.loop_unroll_factor = 8 : i64, sc.parallel_access}
    %add3A_47 = arith.constant 0 : i32
    %add3A_48 = arith.addi %mul3A_2, %add3A_47 : i32
    %dma_start3A_49 = arith.constant 0 : i32
    %dma_start3A_50 = arith.constant 0 : i32
    %dma_start3A_51 = tpu.memref_slice %arg8[%dma_start3A_49, %dma_start3A_50] : memref<2x16384xf32, #tpu.memory_space<vmem>> -> memref<1x16384xf32, #tpu.memory_space<vmem>>
    %dma_start3A_52 = tpu.memref_squeeze %dma_start3A_51 : memref<1x16384xf32, #tpu.memory_space<vmem>> -> memref<16384xf32, #tpu.memory_space<vmem>>
    %dma_start3A_53 = tpu.memref_slice %arg4[%add3A_48] : memref<1048576xf32, #tpu.memory_space<hbm>> -> memref<16384xf32, #tpu.memory_space<hbm>>
    %dma_start3A_54 = tpu.memref_slice %arg4[%add3A_48] : memref<1048576xf32, #tpu.memory_space<hbm>> -> memref<16384xf32, #tpu.memory_space<hbm>>
    %dma_start3A_55 = arith.constant 0 : i32
    %dma_start3A_56 = tpu.memref_slice %arg8[%dma_start3A_49, %dma_start3A_55] : memref<2x16384xf32, #tpu.memory_space<vmem>> -> memref<1x16384xf32, #tpu.memory_space<vmem>>
    %dma_start3A_57 = tpu.memref_squeeze %dma_start3A_56 : memref<1x16384xf32, #tpu.memory_space<vmem>> -> memref<16384xf32, #tpu.memory_space<vmem>>
    tpu.enqueue_dma source(%dma_start3A_57 : memref<16384xf32, #tpu.memory_space<vmem>>) target(%dma_start3A_54 : memref<16384xf32, #tpu.memory_space<hbm>>) target_semaphore(%arg11 : memref<!tpu.dma_semaphore, #tpu.memory_space<semaphore_mem>>)
    %add3A_58 = arith.constant 16384 : i32
    %add3A_59 = arith.addi %mul3A_2, %add3A_58 : i32
    %dma_wait3A_60 = arith.constant 1 : i32
    %dma_wait3A_61 = arith.constant 0 : i32
    %dma_wait3A_62 = tpu.memref_slice %arg7[%dma_wait3A_60, %dma_wait3A_61] : memref<2x16384xi32, #tpu.memory_space<vmem>> -> memref<1x16384xi32, #tpu.memory_space<vmem>>
    %dma_wait3A_63 = tpu.memref_squeeze %dma_wait3A_62 : memref<1x16384xi32, #tpu.memory_space<vmem>> -> memref<16384xi32, #tpu.memory_space<vmem>>
    %dma_wait3A_64 = tpu.memref_slice %arg2[%add3A_59] : memref<1048576xi32, #tpu.memory_space<hbm>> -> memref<16384xi32, #tpu.memory_space<hbm>>
    %dma_wait3A_65 = arith.constant 0 : i32
    %dma_wait3A_66 = tpu.memref_slice %arg7[%dma_wait3A_60, %dma_wait3A_65] : memref<2x16384xi32, #tpu.memory_space<vmem>> -> memref<1x16384xi32, #tpu.memory_space<vmem>>
    %dma_wait3A_67 = tpu.memref_squeeze %dma_wait3A_66 : memref<1x16384xi32, #tpu.memory_space<vmem>> -> memref<16384xi32, #tpu.memory_space<vmem>>
    %dma_wait3A_68 = tpu.memref_slice %arg2[%add3A_59] : memref<1048576xi32, #tpu.memory_space<hbm>> -> memref<16384xi32, #tpu.memory_space<hbm>>
    tpu.wait_dma2 semaphore(%arg10 : memref<!tpu.dma_semaphore, #tpu.memory_space<semaphore_mem>>) src(%dma_wait3A_68 : memref<16384xi32, #tpu.memory_space<hbm>>) dst(%dma_wait3A_67 : memref<16384xi32, #tpu.memory_space<vmem>>)
    %parallel_loop3A_69 = arith.constant 0 : i32
    %parallel_loop3A_70 = arith.constant 16384 : i32
    %parallel_loop3A_71 = arith.constant 16 : i32
    scf.for %parallel_loop3A_105 = %parallel_loop3A_69 to %parallel_loop3A_70 step %parallel_loop3A_71  : i32 {
      %parallel_loop3A_106 = arith.constant 1 : i32
      %parallel_loop3A_107 = arith.index_cast %parallel_loop3A_106 : i32 to index
      %parallel_loop3A_108 = arith.index_cast %parallel_loop3A_105 : i32 to index
      %parallel_loop3A_109 = tpu.vector_load %arg7[%parallel_loop3A_107, %parallel_loop3A_108] {strides = array<i32>} : memref<2x16384xi32, #tpu.memory_space<vmem>>, vector<16xi32>,
      %parallel_loop3A_110 = tpu.vector_load_idx %arg6[%parallel_loop3A_109] : memref<1008xf32, #tpu.memory_space<vmem>>[vector<16xi32>], vector<16xf32>,
      %parallel_loop3A_111 = arith.constant 1 : i32
      %parallel_loop3A_112 = arith.index_cast %parallel_loop3A_111 : i32 to index
      %parallel_loop3A_113 = arith.index_cast %parallel_loop3A_105 : i32 to index
      %parallel_loop3A_114 = tpu.vector_load %arg8[%parallel_loop3A_112, %parallel_loop3A_113] {strides = array<i32>} : memref<2x16384xf32, #tpu.memory_space<vmem>>, vector<16xf32>,
      tpu.vector_store %arg8[%parallel_loop3A_112, %parallel_loop3A_113], %parallel_loop3A_110 {strides = array<i32>} : memref<2x16384xf32, #tpu.memory_space<vmem>>, vector<16xf32>,
    } {sc.loop_unroll_factor = 8 : i64, sc.parallel_access}
    %add3A_72 = arith.constant 16384 : i32
    %add3A_73 = arith.addi %mul3A_2, %add3A_72 : i32
    %dma_start3A_74 = arith.constant 1 : i32
    %dma_start3A_75 = arith.constant 0 : i32
    %dma_start3A_76 = tpu.memref_slice %arg8[%dma_start3A_74, %dma_start3A_75] : memref<2x16384xf32, #tpu.memory_space<vmem>> -> memref<1x16384xf32, #tpu.memory_space<vmem>>
    %dma_start3A_77 = tpu.memref_squeeze %dma_start3A_76 : memref<1x16384xf32, #tpu.memory_space<vmem>> -> memref<16384xf32, #tpu.memory_space<vmem>>
    %dma_start3A_78 = tpu.memref_slice %arg4[%add3A_73] : memref<1048576xf32, #tpu.memory_space<hbm>> -> memref<16384xf32, #tpu.memory_space<hbm>>
    %dma_start3A_79 = tpu.memref_slice %arg4[%add3A_73] : memref<1048576xf32, #tpu.memory_space<hbm>> -> memref<16384xf32, #tpu.memory_space<hbm>>
    %dma_start3A_80 = arith.constant 0 : i32
    %dma_start3A_81 = tpu.memref_slice %arg8[%dma_start3A_74, %dma_start3A_80] : memref<2x16384xf32, #tpu.memory_space<vmem>> -> memref<1x16384xf32, #tpu.memory_space<vmem>>
    %dma_start3A_82 = tpu.memref_squeeze %dma_start3A_81 : memref<1x16384xf32, #tpu.memory_space<vmem>> -> memref<16384xf32, #tpu.memory_space<vmem>>
    tpu.enqueue_dma source(%dma_start3A_82 : memref<16384xf32, #tpu.memory_space<vmem>>) target(%dma_start3A_79 : memref<16384xf32, #tpu.memory_space<hbm>>) target_semaphore(%arg12 : memref<!tpu.dma_semaphore, #tpu.memory_space<semaphore_mem>>)
    %add3A_83 = arith.constant 0 : i32
    %add3A_84 = arith.addi %mul3A_2, %add3A_83 : i32
    %dma_wait3A_85 = arith.constant 0 : i32
    %dma_wait3A_86 = arith.constant 0 : i32
    %dma_wait3A_87 = tpu.memref_slice %arg8[%dma_wait3A_85, %dma_wait3A_86] : memref<2x16384xf32, #tpu.memory_space<vmem>> -> memref<1x16384xf32, #tpu.memory_space<vmem>>
    %dma_wait3A_88 = tpu.memref_squeeze %dma_wait3A_87 : memref<1x16384xf32, #tpu.memory_space<vmem>> -> memref<16384xf32, #tpu.memory_space<vmem>>
    %dma_wait3A_89 = tpu.memref_slice %arg4[%add3A_84] : memref<1048576xf32, #tpu.memory_space<hbm>> -> memref<16384xf32, #tpu.memory_space<hbm>>
    %dma_wait3A_90 = tpu.memref_slice %arg4[%add3A_84] : memref<1048576xf32, #tpu.memory_space<hbm>> -> memref<16384xf32, #tpu.memory_space<hbm>>
    %dma_wait3A_91 = arith.constant 0 : i32
    %dma_wait3A_92 = tpu.memref_slice %arg8[%dma_wait3A_85, %dma_wait3A_91] : memref<2x16384xf32, #tpu.memory_space<vmem>> -> memref<1x16384xf32, #tpu.memory_space<vmem>>
    %dma_wait3A_93 = tpu.memref_squeeze %dma_wait3A_92 : memref<1x16384xf32, #tpu.memory_space<vmem>> -> memref<16384xf32, #tpu.memory_space<vmem>>
    tpu.wait_dma2 semaphore(%arg11 : memref<!tpu.dma_semaphore, #tpu.memory_space<semaphore_mem>>) src(%dma_wait3A_93 : memref<16384xf32, #tpu.memory_space<vmem>>) dst(%dma_wait3A_90 : memref<16384xf32, #tpu.memory_space<hbm>>)
    %add3A_94 = arith.constant 16384 : i32
    %add3A_95 = arith.addi %mul3A_2, %add3A_94 : i32
    %dma_wait3A_96 = arith.constant 1 : i32
    %dma_wait3A_97 = arith.constant 0 : i32
    %dma_wait3A_98 = tpu.memref_slice %arg8[%dma_wait3A_96, %dma_wait3A_97] : memref<2x16384xf32, #tpu.memory_space<vmem>> -> memref<1x16384xf32, #tpu.memory_space<vmem>>
    %dma_wait3A_99 = tpu.memref_squeeze %dma_wait3A_98 : memref<1x16384xf32, #tpu.memory_space<vmem>> -> memref<16384xf32, #tpu.memory_space<vmem>>
    %dma_wait3A_100 = tpu.memref_slice %arg4[%add3A_95] : memref<1048576xf32, #tpu.memory_space<hbm>> -> memref<16384xf32, #tpu.memory_space<hbm>>
    %dma_wait3A_101 = tpu.memref_slice %arg4[%add3A_95] : memref<1048576xf32, #tpu.memory_space<hbm>> -> memref<16384xf32, #tpu.memory_space<hbm>>
    %dma_wait3A_102 = arith.constant 0 : i32
    %dma_wait3A_103 = tpu.memref_slice %arg8[%dma_wait3A_96, %dma_wait3A_102] : memref<2x16384xf32, #tpu.memory_space<vmem>> -> memref<1x16384xf32, #tpu.memory_space<vmem>>
    %dma_wait3A_104 = tpu.memref_squeeze %dma_wait3A_103 : memref<1x16384xf32, #tpu.memory_space<vmem>> -> memref<16384xf32, #tpu.memory_space<vmem>>
    tpu.wait_dma2 semaphore(%arg12 : memref<!tpu.dma_semaphore, #tpu.memory_space<semaphore_mem>>) src(%dma_wait3A_104 : memref<16384xf32, #tpu.memory_space<vmem>>) dst(%dma_wait3A_101 : memref<16384xf32, #tpu.memory_space<hbm>>)
    return
  }
}

</mosaic_0001>

<sc_bundles>
// kernel: kernel.3.cloned.1.call-start
scs
__scs_entry_jumppad:
0x0: {  	(pc) =	sbr.rel $0x88, $3  }
0x1: {  	(tag) =	ssettag $0x0;
	lr =	simm.s32 $0x1  }
0x2: {  	[smem:$0x3F9F] =	sst lr;
	_ =	strace $0xD0000000  }
0x3: {  	_ = 	snop  }
0x4: {  	_ = 	snop  }
0x5: {  	_ = 	snop  }
0x6: {  	_ = 	snop  }
0x7: {  	_ = 	snop  }
__scs_overlays_trampoline_lowered:
0x8: {  	[smem:$0x3FAE] =	sst s0  }
0x9: {  	[smem:$0x3FAF] =	sst s1  }
0xa: {  	[smem:$0x3FB0] =	sst s2  }
0xb: {  	[smem:$0x3FB1] =	sst s3  }
0xc: {  	[smem:$0x3FB2] =	sst s4  }
0xd: {  	[smem:$0x3FB3] =	sst s5  }
0xe: {  	[smem:$0x3FB4] =	sst s6  }
0xf: {  	[smem:$0x3FB5] =	sst s7  }
0x10: {  	[smem:$0x3FB6] =	sst s8  }
0x11: {  	[smem:$0x3FB7] =	sst s9;
	s0 =	simm.s32 @!p0 $0x0  }
0x12: {  	s1 =	sld [smem:$0x3F9D];
	s0 =	simm.s32 @p0 $0x1  }
0x13: {  	[smem:$0x3FB8] =	sst s0;
	s0 =	simm.s32 @!p1 $0x0  }
0x14: {  	s2 =	sld [smem:$0x3F9C];
	s0 =	simm.s32 @p1 $0x1  }
0x15: {  	[smem:$0x3FB9] =	sst s0;
	s0 =	simm.s32 @!p2 $0x0  }
0x16: {  	s3 =	sld [smem:$0x3FDB];
	s0 =	simm.s32 @p2 $0x1  }
0x17: {  	s4 =	simm.s32 $0x1BF5;
	[smem:$0x3FBB] =	sst s0  }
0x18: {  	s0 =	sld [smem:$0x3F9E];
	_ =	swait.ge [sflag:s4], $0x0  }
0x19: {  	s7 =	sld [smem:$0x3F9F]  }
0x1a: {  	s8 =	sadd.s32 $0xFFFFE003, lr  }
0x1b: {  	s9 =	sadd.s32 $0xFFFFFEF7, lr;
	s5 =	simm.s32 $0xFFFFFFFF;
	p2 =	slt.u32 s8, $0xFFFFF086  }
0x1c: {  	p1 =	slt.u32 s9, $0xF7A;
	s5 =	simm.s32 @!p2 $0x0  }
0x1d: {  	s5 =	simm.s32 @p1 $0x1;
	p0 =	seq.s32 s7, s2  }
0x1e: {  	s7 =	smul.u32 @!p0 $0xF7A, s2;
	p2 =	seq.s32 @!p0 s5, $0x0  }
0x1f: {  	s9 =	smul.u32 $0xF7A, s1;
	s8 =	simm.s32 @!p0 $0x1BF5;
	p2 =	por !p2, p0  }
0x20: {  	[sflag:s8] =	ssyncset.s32 @!p0 $0xFFFFF086;
	s6 =	sadd.s32 @!p0 s3, s7;
	s7 =	simm.s32 @!p0 $0x108  }
0x21: {  	s3 =	sadd.s32 s3, s9;
	s6 =	sadd.s32 @!p0 $0x88, s6;
	s7 =	simm.s32 @p2 $0x1082  }
0x22: {  	[simem:s7], [sflag:s8] =	dma.local @!p0 [hbm:s6], $0xF7A  }
0x23: {  	s9 =	sor.u32 $0xD0000000, s2;
	s6 =	simm.s32 $0x108;
	_ =	swait.ge @!p0 [sflag:s8], $0x0  }
0x24: {  	s3 =	sadd.s32 $0x88, s3;
	s6 =	simm.s32 @!p1 $0x1082;
	[sflag:s4] =	ssyncset.s32 $0xFFFFF086  }
0x25: {  	[simem:s6], [sflag:s4] =	dma.local [hbm:s3], $0xF7A  }
0x26: {  	[smem:$0x3F9F] =	sst s1;
	(tag) =	ssettag s2;
	_ =	strace s9  }
0x27: {  	s1 =	sld [smem:$0x3FAF]  }
0x28: {  	s2 =	sld [smem:$0x3FB0]  }
0x29: {  	s4 =	sld [smem:$0x3FB2]  }
0x2a: {  	p0 =	seq.s32 s5, $0x0;
	s5 =	sld [smem:$0x3FB3]  }
0x2b: {  	s6 =	sld [smem:$0x3FB4]  }
0x2c: {  	s7 =	sld [smem:$0x3FB5]  }
0x2d: {  	s3 =	simm.s32 $0x108;
	s8 =	sld [smem:$0x3FB6]  }
0x2e: {  	s3 =	simm.s32 @!p0 $0x1082;
	s9 =	sld [smem:$0x3FB7]  }
0x2f: {  	lr =	sadd.s32 s0, s3;
	s0 =	sld [smem:$0x3FAE]  }
0x30: {  	s3 =	sld [smem:$0x3FB1]  }
0x31: {  	[smem:$0x3FBA] =	sst s10  }
0x32: {  	s10 =	sld [smem:$0x3FB8];
	_ =	sdelay $0x3  }
0x33: {  	p0 =	seq.s32 s10, $0x1;
	s10 =	sld [smem:$0x3FBA];
	_ =	sdelay $0x3  }
0x34: {  	[smem:$0x3FBA] =	sst s10  }
0x35: {  	s10 =	sld [smem:$0x3FB9];
	_ =	sdelay $0x3  }
0x36: {  	p1 =	seq.s32 s10, $0x1;
	s10 =	sld [smem:$0x3FBA];
	_ =	sdelay $0x3  }
0x37: {  	[smem:$0x3FBA] =	sst s10  }
0x38: {  	s10 =	sld [smem:$0x3FBB]  }
0x39: {  	_ = 	snop;
	(pc) =	sbr.ind lr, $3  }
0x3a: {  	_ = 	snop  }
0x3b: {  	_ = 	snop  }
0x3c: {  	p2 =	seq.s32 s10, $0x1;
	s10 =	sld [smem:$0x3FBA]  }
0x3d: {  	_ =	shalt  }
0x3e: {  	_ =	shalt  }
0x3f: {  	_ =	shalt  }
0x40: {  	_ =	shalt  }
0x41: {  	_ =	shalt  }
0x42: {  	_ =	shalt  }
0x43: {  	_ =	shalt  }
0x44: {  	_ =	shalt  }
0x45: {  	_ =	shalt  }
0x46: {  	_ =	shalt  }
0x47: {  	_ =	shalt  }
0x48: {  	_ =	shalt  }
0x49: {  	_ =	shalt  }
0x4a: {  	_ =	shalt  }
0x4b: {  	_ =	shalt  }
0x4c: {  	_ =	shalt  }
0x4d: {  	_ =	shalt  }
0x4e: {  	_ =	shalt  }
0x4f: {  	_ =	shalt  }
0x50: {  	_ =	shalt  }
0x51: {  	_ =	shalt  }
0x52: {  	_ =	shalt  }
0x53: {  	_ =	shalt  }
0x54: {  	_ =	shalt  }
0x55: {  	_ =	shalt  }
0x56: {  	_ =	shalt  }
0x57: {  	_ =	shalt  }
0x58: {  	_ =	shalt  }
0x59: {  	_ =	shalt  }
0x5a: {  	_ =	shalt  }
0x5b: {  	_ =	shalt  }
0x5c: {  	_ =	shalt  }
0x5d: {  	_ =	shalt  }
0x5e: {  	_ =	shalt  }
0x5f: {  	_ =	shalt  }
0x60: {  	_ =	shalt  }
0x61: {  	_ =	shalt  }
0x62: {  	_ =	shalt  }
0x63: {  	_ =	shalt  }
0x64: {  	_ =	shalt  }
0x65: {  	_ =	shalt  }
0x66: {  	_ =	shalt  }
0x67: {  	_ =	shalt  }
0x68: {  	_ =	shalt  }
0x69: {  	_ =	shalt  }
0x6a: {  	_ =	shalt  }
0x6b: {  	_ =	shalt  }
0x6c: {  	_ =	shalt  }
0x6d: {  	_ =	shalt  }
0x6e: {  	_ =	shalt  }
0x6f: {  	_ =	shalt  }
0x70: {  	_ =	shalt  }
0x71: {  	_ =	shalt  }
0x72: {  	_ =	shalt  }
0x73: {  	_ =	shalt  }
0x74: {  	_ =	shalt  }
0x75: {  	_ =	shalt  }
0x76: {  	_ =	shalt  }
0x77: {  	_ =	shalt  }
0x78: {  	_ =	shalt  }
0x79: {  	_ =	shalt  }
0x7a: {  	_ =	shalt  }
0x7b: {  	_ =	shalt  }
0x7c: {  	_ =	shalt  }
0x7d: {  	_ =	shalt  }
0x7e: {  	_ =	shalt  }
0x7f: {  	_ =	shalt  }
0x80: {  	_ =	shalt  }
0x81: {  	_ =	shalt  }
0x82: {  	_ =	shalt  }
0x83: {  	_ =	shalt  }
0x84: {  	_ =	shalt  }
0x85: {  	_ =	shalt  }
0x86: {  	_ =	shalt  }
0x87: {  	_ =	shalt  }
.Lfunc_end0:
.L_simem_size_0:
called_computation_lowered:
.L_overlay_start_0:
0x88: {  	s2 =	sld [smem:$0x3FD9]  }
0x89: {  	s3 =	sld [smem:$0x3FFE];
	_ =	sdelay $0x1  }
0x8a: {  	s1 =	srdreg.scid  }
0x8b: {  	s0 =	sand.u32 $0x1, s1  }
0x8c: {  	s18 =	sshll.u32 s0, $0xA;
	s2 =	sadd.s32 s3, s2  }
0x8d: {  	s2 =	sadd.s32 s2, s18  }
0x8e: {  	[smem:$0x3FC6] =	sst s2  }
0x8f: {  	_ = 	snop  }
0x90: {  	s2 =	sld [smem:$0x3FC9]  }
0x91: {  	s19 =	sld [smem:$0x3FC8]  }
0x92: {  	s4 =	sld [smem:$0x3FD0];
	(tm) =	ssettm $0x1  }
0x93: {  	s5 =	sld [smem:$0x3FFB];
	_ =	sdelay $0x3  }
0x94: {  	_ =	strace s5  }
0x95: {  	s5 =	sld [smem:$0x3FFC];
	_ =	sdelay $0x3  }
0x96: {  	_ =	strace s5  }
0x97: {  	s5 =	sld [smem:$0x3FFD];
	_ =	sdelay $0x3  }
0x98: {  	_ =	strace s5  }
0x99: {  	_ =	strace $0x8FFFFFFF  }
0x9a: {  	s20 =	sld [smem:$0x3FDB];
	_ =	sdelay $0x1  }
0x9b: {  	s6 =	simm.s32 $_scs_section_size  }
0x9c: {  	s7 =	simm.s32 $_size__tile_overlayer_lowered;
	s8 =	simm.s32 $_tile_overlayer_lowered  }
0x9d: {  	s23 =	simm.s32 $0x1BFF;
	s22 =	sshll.u32 s8, $0x1;
	s5 =	sadd.s32 s6, s20  }
0x9e: {  	s9 =	simm.s32 $0x0;
	s21 =	sshll.u32 s7, $0x1;
	s7 =	sadd.s32 s22, s5  }
0x9f: {  	[timem:s9], [sflag:s23] =	dma.local [hbm:s7], s21  }
0xa0: {  	_ =	swait.ge [sflag:s23], s21  }
0xa1: {  	s6 =	ssub.s32 $0x0, s21;
	[sflag:s23] =	ssyncset.done $0x0  }
0xa2: {  	[sflag:s23] =	ssyncadd.s32 s6;
	_ =	sdelay $0x1  }
0xa3: {  	s24 =	simm.s32 $0x1B8B  }
0xa4: {  	_ =	swait.ge [sflag:s24], $0x1  }
0xa5: {  	[sflag:s24] =	ssyncset.done $0x0  }
0xa6: {  	s25 =	simm.s32 $0x1B8E;
	[sflag:s24] =	ssyncadd.s32 $0xFFFFFFFF  }
0xa7: {  	s26 =	simm.s32 $execute0_lowered;
	[smem:$0x3FD2] =	sst s25  }
0xa8: {  	s6 =	sshll.u32 s26, $0x1;
	_ =	strace $0x80000046;
	[dreg:$0x1] =	wrdreg $0xFFFFFFFF  }
0xa9: {  	s28 =	simm.s32 $_size_execute0_lowered;
	s5 =	sadd.s32 s5, s6;
	[dreg:$0x0] =	wrdreg $0x0  }
0xaa: {  	s6 =	sshll.u32 s28, $0x1;
	[dreg:$0x2] =	wrdreg s5  }
0xab: {  	[dreg:$0x3] =	wrdreg s6  }
0xac: {  	[dreg:$0x4] =	wrdreg $0xC0  }
0xad: {  	_ =	task [dreg:s9], $0x5FFFF  }
0xae: {  	[dreg:$0x1] =	wrdreg $0xFFFFFFFF  }
0xaf: {  	[dreg:$0x0] =	wrdreg $0x60  }
0xb0: {  	[dreg:$0x2] =	wrdreg s2  }
0xb1: {  	[dreg:$0x3] =	wrdreg s19  }
0xb2: {  	[dreg:$0x4] =	wrdreg s4  }
0xb3: {  	[dreg:$0x5] =	wrdreg $0x9  }
0xb4: {  	_ =	task.clear_ibuf [dreg:s9], $0x6FFFF;
	_ =	strace $0x90000046  }
0xb5: {  	s29 =	simm.s32 $0x9;
	_ =	strace $0x80000048  }
0xb6: {  	_ =	swait.ge [sflag:s29], $0x1  }
0xb7: {  	[sflag:s29] =	ssyncadd.s32 $0xFFFFFFFF  }
0xb8: {  	_ =	strace $0x90000048  }
0xb9: {  	_ =	sfence  }
0xba: {  	s30 =	sld [smem:$0x0];
	_ =	sdelay $0x2  }
0xbb: {  	s31 =	sshll.u32 s1, $0xD;
	s1 =	sshrl.u32 s1, $0x2  }
0xbc: {  	s3 =	sand.u32 $0x4000, s31;
	s1 =	sadd.s32 s1, s30  }
0xbd: {  	s0 =	sor.u32 s3, s0;
	s1 =	sshll.u32 s1, $0x11  }
0xbe: {  	s0 =	sor.u32 s1, s0  }
0xbf: {  	s0 =	sadd.s32 $0x8F2B, s0  }
0xc0: {  	[sflag:s0] =	ssyncadd.remote.s32 $0x1  }
0xc1: {  	_ =	sfence.sel $0xFFFF  }
0xc2: {  	[dreg:$0x0] =	wrdreg $0xFFFFFFFF;
	(pc) =	sbr.abs _section_cstart, $3  }
0xc3: {  	[dreg:$0x1] =	wrdreg $0xFFFFFFFF  }
0xc4: {  	_ =	task.clear_ibuf [dreg:s9], $0x2FFFF;
	_ =	strace $0x9FFFFFFF  }
0xc5: {  	(tm) =	ssettm $0x7FFFFFFF  }
tec
execute0_lowered:
.L_overlay_start_1:
0x0: {  	(tag) =	ssettag $0x1  }
0x1: {  	s5 =	rddreg [dreg:$0x0]  }
0x2: {  	s2 =	rddreg [dreg:$0x1]  }
0x3: {  	s7 =	rddreg [dreg:$0x2];
	s3 =	srdreg.scid  }
0x4: {  	s0 =	rddreg [dreg:$0x3];
	s1 =	stileid.u32;
	s10 =	simm.s32 $0x1  }
0x5: {  	s11 =	simm.s32 $0x400;
	s12 =	simm.s32 $0x2;
	s13 =	simm.s32 $0x4  }
0x6: {  	s14 =	simm.s32 $0x0;
	s4 =	sand.u32 $0x1, s3;
	s3 =	simm.s32 $0x0  }
0x7: {  	s6 =	sshll.u32 s1, $0xD;
	s8 =	sshll.u32 s4, $0xC;
	s4 =	ssub.s32 $0x2, s4  }
0x8: {  	[smem:$0x7FF] =	sst s3;
	s6 =	sor.u32 s8, s6;
	s31 =	sshrl.u32 s4, $0x1  }
0x9: {  	_ =	strace $0x80000047;
	s9 =	sor.u32 $0x800, s6;
	s8 =	ssub.s32 s4, s31  }
0xa: {  	s4 =	sadd.s32 s5, s6;
	s6 =	sadd.s32 s7, s6;
	s5 =	sadd.s32 s5, s9  }
0xb: {  	s7 =	sadd.s32 s7, s9;
	s8 =	smax.u32 s8, $0x1;
	s9 =	simm.s32 $0x3  }
.LBB2_1:
0xc: {  	[tilespmem:s3], [sflag:$0x3] =	stream.linear.gather [hbm4b:s2+s3], $0x3E8, $0x38;
	[tilespmem:$0x10800] =	vst v63  }
0xd: {  	s15 =	simm.s32 $0x800  }
0xe: {  	s16 =	simm.s32 $0x10;
	s18 =	sadd.s32 $0x0, s4;
	s17 =	simm.s32 $0x900  }
.LBB2_2:
0xf: {  	[tilespmem:s15], [sflag:$0x1] =	stream.linear.gather [hbm4b:s18+s3], $0x80, $0x38;
	[tilespmem:$0x10800] =	vst v63  }
0x10: {  	s18 =	smov.u32 s16;
	s15 =	smov.u32 s17;
	p0 =	sne.s32 s16, $0x7F0  }
.Ltmp0:
0x11: {  	s16 =	sadd.s32 $0x10, s16;
	(pc) =	sbr.rel @p0 .LBB2_2-.Ltmp0, $2  }
0x12: {  	_ =	sdelay $0x2  }
0x13: {  	s17 =	sadd.s32 $0x100, s17;
	s18 =	sadd.s32 s18, s4  }
0x14: {  	[tilespmem:s15], [sflag:$0x1] =	stream.linear.gather [hbm4b:s18+s3], $0x80, $0x38;
	[tilespmem:$0x10800] =	vst v63  }
0x15: {  	_ =	swait.ge [sflag:s9], $0x3E8  }
0x16: {  	[sflag:s9] =	ssyncset.done $0x0  }
0x17: {  	s29 =	simm.s32 $0x20;
	[sflag:s9] =	ssyncadd.s32 $0xFFFFFC18  }
0x18: {  	v0 =	vld [tilespmem:s29+$0x0]  }
0x19: {  	v1 =	vld [tilespmem:s29+$0xFFFFFFE0];
	_ =	sdelay $0x2  }
0x1a: {  	v2 =	vld [tilespmem:s29+$0xFFFFFFF0]  }
0x1b: {  	s30 =	simm.s32 $0x60;
	v3 =	vld [tilespmem:s29+$0x10];
	v0 =	vmul.f32 $1.442695020e+00, v0  }
0x1c: {  	v4 =	vld [tilespmem:s30+$0x0];
	v1 =	vmul.f32 $1.442695020e+00, v1  }
0x1d: {  	(erf) = vpow2.f32 v0;
	v0 =	vld [tilespmem:s30+$0xFFFFFFE0]  }
0x1e: {  	(erf) = vpow2.f32 v1;
	v1 =	vld [tilespmem:s30+$0xFFFFFFF0]  }
0x1f: {  	v2 =	vmul.f32 $1.442695020e+00, v2  }
0x20: {  	v5 =	vld [tilespmem:s30+$0x10];
	v3 =	vmul.f32 $1.442695020e+00, v3  }
0x21: {  	(erf) = vpow2.f32 v2  }
0x22: {  	v2 =	vmul.f32 $1.442695020e+00, v4;
	(erf) = vpow2.f32 v3  }
0x23: {  	s31 =	simm.s32 $0xA0;
	v3 =	vmul.f32 $1.442695020e+00, v0;
	v6 =	vmul.f32 $1.442695020e+00, v1  }
0x24: {  	v4 =	vld [tilespmem:s31+$0x0];
	(erf) = vpow2.f32 v2  }
0x25: {  	v5 =	vmul.f32 $1.442695020e+00, v5;
	(erf) = vpow2.f32 v3  }
0x26: {  	v0 =	vld [tilespmem:s31+$0xFFFFFFE0];
	(erf) = vpow2.f32 v6  }
0x27: {  	v1 =	vld [tilespmem:s31+$0xFFFFFFF0];
	v6 =	vpop (erf);
	(erf) = vpow2.f32 v5  }
0x28: {  	s16 =	simm.s32 $0x420;
	v2 =	vld [tilespmem:s31+$0x10]  }
0x29: {  	s18 =	simm.s32 $0x80;
	s19 =	simm.s32 $0xE0;
	s17 =	simm.s32 $0x420;
	v3 =	vmul.f32 $1.442695020e+00, v4;
	[tilespmem:s16+$0x0] =	vst v6;
	v4 =	vpop (erf)  }
.LBB2_4:
0x2a: {  	s18 =	sadd.s32 $0x40, s18  }
0x2b: {  	v5 =	vld [tilespmem:s19+$0x0];
	v6 =	vmul.f32 $1.442695020e+00, v0;
	[tilespmem:s16+$0xFFFFFFE0] =	vst v4;
	s17 =	sadd.s32 $0x40, s17;
	s15 =	simm.s32 $0x3B0;
	v4 =	vpop (erf);
	p0 =	slt.u32 s18, $0x380  }
.Ltmp1:
0x2c: {  	v0 =	vld [tilespmem:s19+$0xFFFFFFE0];
	v7 =	vmul.f32 $1.442695020e+00, v1;
	(erf) = vpow2.f32 v3;
	[tilespmem:s16+$0xFFFFFFF0] =	vst v4;
	v3 =	vpop (erf);
	(pc) =	sbr.rel @p0 .LBB2_4-.Ltmp1, $4  }
0x2d: {  	v1 =	vld [tilespmem:s19+$0xFFFFFFF0];
	v8 =	vmul.f32 $1.442695020e+00, v2;
	(erf) = vpow2.f32 v6;
	[tilespmem:s16+$0x10] =	vst v3;
	s16 =	smov.u32 s17  }
0x2e: {  	v2 =	vld [tilespmem:s19+$0x10];
	(erf) = vpow2.f32 v7  }
0x2f: {  	(erf) = vpow2.f32 v8;
	v4 =	vpop (erf)  }
0x30: {  	s19 =	sadd.s32 $0x40, s19;
	v3 =	vmul.f32 $1.442695020e+00, v5;
	[tilespmem:s17+$0x0] =	vst v4;
	v4 =	vpop (erf)  }
0x31: {  	v0 =	vmul.f32 $1.442695020e+00, v0  }
0x32: {  	v1 =	vmul.f32 $1.442695020e+00, v1;
	(erf) = vpow2.f32 v3  }
0x33: {  	v2 =	vmul.f32 $1.442695020e+00, v2;
	(erf) = vpow2.f32 v0  }
0x34: {  	(erf) = vpow2.f32 v1  }
0x35: {  	[tilespmem:s16+$0xFFFFFFE0] =	vst v4;
	v54 =	vpop (erf);
	(erf) = vpow2.f32 v2  }
0x36: {  	v55 =	vpop (erf);
	[tilespmem:s16+$0xFFFFFFF0] =	vst v54  }
0x37: {  	s17 =	sadd.s32 $0x40, s17;
	[tilespmem:s16+$0x10] =	vst v55;
	v56 =	vpop (erf)  }
0x38: {  	[tilespmem:s17+$0x0] =	vst v56;
	v57 =	vpop (erf)  }
0x39: {  	[tilespmem:s17+$0xFFFFFFE0] =	vst v57;
	v58 =	vpop (erf)  }
0x3a: {  	[tilespmem:s17+$0xFFFFFFF0] =	vst v58;
	v59 =	vpop (erf)  }
0x3b: {  	s18 =	sadd.s32 $0x40, s17;
	[tilespmem:s17+$0x10] =	vst v59;
	v60 =	vpop (erf)  }
0x3c: {  	[tilespmem:s18+$0x0] =	vst v60;
	v61 =	vpop (erf)  }
0x3d: {  	[tilespmem:s18+$0xFFFFFFE0] =	vst v61;
	v62 =	vpop (erf)  }
0x3e: {  	[tilespmem:s18+$0xFFFFFFF0] =	vst v62;
	v63 =	vpop (erf)  }
0x3f: {  	s16 =	simm.s32 $0x7C0;
	s17 =	simm.s32 $0x3C0;
	[tilespmem:s18+$0x10] =	vst v63  }
.LBB2_6:
0x40: {  	v0 =	vld [tilespmem:s17+$0x0];
	_ =	sdelay $0x4  }
0x41: {  	v0 =	vmul.f32 $1.442695020e+00, v0;
	_ =	sdelay $0x1  }
0x42: {  	(erf) = vpow2.f32 v0;
	_ =	sdelay $0x3  }
0x43: {  	s15 =	sadd.s32 $0x10, s15  }
0x44: {  	p0 =	slt.u32 s15, $0x3E0  }
.Ltmp2:
0x45: {  	_ = 	snop;
	(pc) =	sbr.rel @p0 .LBB2_6-.Ltmp2, $3  }
0x46: {  	_ =	sdelay $0x1  }
0x47: {  	v0 =	vpop (erf)  }
0x48: {  	s17 =	sadd.s32 $0x10, s17;
	[tilespmem:s16+$0x0] =	vst v0;
	s16 =	sadd.s32 $0x10, s16  }
0x49: {  	s15 =	simm.s32 $0x880  }
0x4a: {  	s16 =	simm.s32 $0x10;
	s18 =	sadd.s32 $0x0, s5;
	s17 =	simm.s32 $0x980  }
.LBB2_8:
0x4b: {  	[tilespmem:s15], [sflag:$0x2] =	stream.linear.gather [hbm4b:s18+s3], $0x80, $0x38;
	[tilespmem:$0x10800] =	vst v63  }
0x4c: {  	s18 =	smov.u32 s16;
	s15 =	smov.u32 s17;
	p0 =	sne.s32 s16, $0x7F0  }
.Ltmp3:
0x4d: {  	s16 =	sadd.s32 $0x10, s16;
	(pc) =	sbr.rel @p0 .LBB2_8-.Ltmp3, $2  }
0x4e: {  	_ =	sdelay $0x2  }
0x4f: {  	s17 =	sadd.s32 $0x100, s17;
	s18 =	sadd.s32 s18, s5  }
0x50: {  	[tilespmem:s15], [sflag:$0x2] =	stream.linear.gather [hbm4b:s18+s3], $0x80, $0x38;
	[tilespmem:$0x10800] =	vst v63  }
0x51: {  	_ =	swait.ge [sflag:s10], $0x4000  }
0x52: {  	[sflag:s10] =	ssyncset.done $0x0  }
0x53: {  	s31 =	simm.s32 $0x840;
	[sflag:s10] =	ssyncadd.s32 $0xFFFFC000  }
0x54: {  	v0 =	vld [tilespmem:s31+$0x30]  }
0x55: {  	v1 =	vld [tilespmem:s31+$0xFFFFFFD0]  }
0x56: {  	v2 =	vld [tilespmem:s31+$0xFFFFFFE0]  }
0x57: {  	v3 =	vld [tilespmem:s31+$0xFFFFFFF0]  }
0x58: {  	v4 =	vld [tilespmem:s31+$0x0]  }
0x59: {  	v6 =	vld [tilespmem:s31+$0x10]  }
0x5a: {  	v7 =	vld [tilespmem:s31+$0x20]  }
0x5b: {  	v8 =	vld [tilespmem:s31+$0xFFFFFFC0]  }
0x5c: {  	v9 =	vld.idx.msk [tilespmem:v0+s11+$0x0], $0xffff  }
0x5d: {  	v10 =	vld.idx.msk [tilespmem:v1+s11+$0x0], $0xffff  }
0x5e: {  	v5 =	vld.idx.msk [tilespmem:v2+s11+$0x0], $0xffff  }
0x5f: {  	v3 =	vld.idx.msk [tilespmem:v3+s11+$0x0], $0xffff  }
0x60: {  	v0 =	vld.idx.msk [tilespmem:v4+s11+$0x0], $0xffff  }
0x61: {  	s15 =	simm.s32 $0x8840;
	v1 =	vld.idx.msk [tilespmem:v6+s11+$0x0], $0xffff  }
0x62: {  	v2 =	vld.idx.msk [tilespmem:v7+s11+$0x0], $0xffff;
	[tilespmem:s15+$0x30] =	vst v9  }
0x63: {  	s16 =	simm.s32 $0x0;
	s17 =	simm.s32 $0x940;
	v4 =	vld.idx.msk [tilespmem:v8+s11+$0x0], $0xffff;
	[tilespmem:s15+$0xFFFFFFD0] =	vst v10  }
.LBB2_10:
0x64: {  	v6 =	vld [tilespmem:s17+$0x30];
	s16 =	sadd.s32 $0x80, s16;
	[tilespmem:s15+$0xFFFFFFE0] =	vst v5  }
0x65: {  	v5 =	vld [tilespmem:s17+$0xFFFFFFD0];
	p0 =	slt.u32 s16, $0x3F80;
	[tilespmem:s15+$0xFFFFFFF0] =	vst v3  }
0x66: {  	v3 =	vld [tilespmem:s17+$0xFFFFFFE0];
	[tilespmem:s15+$0x0] =	vst v0  }
0x67: {  	v0 =	vld [tilespmem:s17+$0xFFFFFFF0];
	[tilespmem:s15+$0x10] =	vst v1  }
0x68: {  	v1 =	vld [tilespmem:s17+$0x0];
	[tilespmem:s15+$0x20] =	vst v2  }
0x69: {  	v2 =	vld [tilespmem:s17+$0x10];
	[tilespmem:s15+$0xFFFFFFC0] =	vst v4  }
0x6a: {  	v4 =	vld [tilespmem:s17+$0x20]  }
0x6b: {  	v7 =	vld [tilespmem:s17+$0xFFFFFFC0]  }
0x6c: {  	v6 =	vld.idx.msk [tilespmem:v6+s11+$0x0], $0xffff  }
0x6d: {  	v8 =	vld.idx.msk [tilespmem:v5+s11+$0x0], $0xffff  }
0x6e: {  	v5 =	vld.idx.msk [tilespmem:v3+s11+$0x0], $0xffff  }
.Ltmp4:
0x6f: {  	v3 =	vld.idx.msk [tilespmem:v0+s11+$0x0], $0xffff;
	(pc) =	sbr.rel @p0 .LBB2_10-.Ltmp4, $4  }
0x70: {  	v0 =	vld.idx.msk [tilespmem:v1+s11+$0x0], $0xffff  }
0x71: {  	s15 =	sadd.s32 $0x100, s15;
	v1 =	vld.idx.msk [tilespmem:v2+s11+$0x0], $0xffff  }
0x72: {  	v2 =	vld.idx.msk [tilespmem:v4+s11+$0x0], $0xffff;
	[tilespmem:s15+$0x30] =	vst v6  }
0x73: {  	s17 =	sadd.s32 $0x100, s17;
	v4 =	vld.idx.msk [tilespmem:v7+s11+$0x0], $0xffff;
	[tilespmem:s15+$0xFFFFFFD0] =	vst v8  }
0x74: {  	[tilespmem:s15+$0xFFFFFFE0] =	vst v5  }
0x75: {  	[tilespmem:s15+$0xFFFFFFF0] =	vst v3  }
0x76: {  	[tilespmem:s15+$0x0] =	vst v0  }
0x77: {  	[tilespmem:s15+$0x10] =	vst v1  }
0x78: {  	s16 =	simm.s32 $0x8800;
	[tilespmem:s15+$0x20] =	vst v2  }
0x79: {  	s18 =	sadd.s32 $0x0, s6;
	s17 =	simm.s32 $0x8900;
	[tilespmem:s15+$0xFFFFFFC0] =	vst v4;
	s15 =	simm.s32 $0x10  }
.LBB2_12:
0x7a: {  	[hbm4b:s18+s3] =	stream.linear.scatter [tilespmem:s16], [sflag:$0x3], $0x80, $0x38;
	[tilespmem:$0x10800] =	vst v63  }
0x7b: {  	s18 =	smov.u32 s15;
	s16 =	smov.u32 s17;
	p0 =	sne.s32 s15, $0x7F0  }
.Ltmp5:
0x7c: {  	s15 =	sadd.s32 $0x10, s15;
	(pc) =	sbr.rel @p0 .LBB2_12-.Ltmp5, $2  }
0x7d: {  	_ =	sdelay $0x2  }
0x7e: {  	s17 =	sadd.s32 $0x100, s17;
	s18 =	sadd.s32 s18, s6  }
0x7f: {  	[hbm4b:s18+s3] =	stream.linear.scatter [tilespmem:s16], [sflag:$0x3], $0x80, $0x38;
	[tilespmem:$0x10800] =	vst v63  }
0x80: {  	_ =	swait.ge [sflag:s12], $0x4000  }
0x81: {  	[sflag:s12] =	ssyncset.done $0x0  }
0x82: {  	s15 =	simm.s32 $0x8F0;
	[sflag:s12] =	ssyncadd.s32 $0xFFFFC000  }
0x83: {  	v0 =	vld [tilespmem:s15+$0x0]  }
0x84: {  	v1 =	vld [tilespmem:s15+$0xFFFFFFA0]  }
0x85: {  	v2 =	vld [tilespmem:s15+$0xFFFFFFB0]  }
0x86: {  	v3 =	vld [tilespmem:s15+$0xFFFFFFC0]  }
0x87: {  	v4 =	vld [tilespmem:s15+$0xFFFFFFD0]  }
0x88: {  	v6 =	vld [tilespmem:s15+$0xFFFFFFE0]  }
0x89: {  	v7 =	vld [tilespmem:s15+$0xFFFFFFF0]  }
0x8a: {  	v8 =	vld [tilespmem:s15+$0xFFFFFF90]  }
0x8b: {  	v9 =	vld.idx.msk [tilespmem:v0+s11+$0x0], $0xffff  }
0x8c: {  	v10 =	vld.idx.msk [tilespmem:v1+s11+$0x0], $0xffff  }
0x8d: {  	v5 =	vld.idx.msk [tilespmem:v2+s11+$0x0], $0xffff  }
0x8e: {  	v3 =	vld.idx.msk [tilespmem:v3+s11+$0x0], $0xffff  }
0x8f: {  	v0 =	vld.idx.msk [tilespmem:v4+s11+$0x0], $0xffff  }
0x90: {  	s15 =	simm.s32 $0x88F0;
	v1 =	vld.idx.msk [tilespmem:v6+s11+$0x0], $0xffff  }
0x91: {  	v2 =	vld.idx.msk [tilespmem:v7+s11+$0x0], $0xffff;
	[tilespmem:s15+$0x0] =	vst v9  }
0x92: {  	s16 =	simm.s32 $0x0;
	s17 =	simm.s32 $0x9F0;
	v4 =	vld.idx.msk [tilespmem:v8+s11+$0x0], $0xffff;
	[tilespmem:s15+$0xFFFFFFA0] =	vst v10  }
.LBB2_14:
0x93: {  	v6 =	vld [tilespmem:s17+$0x0];
	s16 =	sadd.s32 $0x80, s16;
	[tilespmem:s15+$0xFFFFFFB0] =	vst v5  }
0x94: {  	v5 =	vld [tilespmem:s17+$0xFFFFFFA0];
	p0 =	slt.u32 s16, $0x3F80;
	[tilespmem:s15+$0xFFFFFFC0] =	vst v3  }
0x95: {  	v3 =	vld [tilespmem:s17+$0xFFFFFFB0];
	[tilespmem:s15+$0xFFFFFFD0] =	vst v0  }
0x96: {  	v0 =	vld [tilespmem:s17+$0xFFFFFFC0];
	[tilespmem:s15+$0xFFFFFFE0] =	vst v1  }
0x97: {  	v1 =	vld [tilespmem:s17+$0xFFFFFFD0];
	[tilespmem:s15+$0xFFFFFFF0] =	vst v2  }
0x98: {  	v2 =	vld [tilespmem:s17+$0xFFFFFFE0];
	[tilespmem:s15+$0xFFFFFF90] =	vst v4  }
0x99: {  	v4 =	vld [tilespmem:s17+$0xFFFFFFF0]  }
0x9a: {  	v7 =	vld [tilespmem:s17+$0xFFFFFF90]  }
0x9b: {  	v6 =	vld.idx.msk [tilespmem:v6+s11+$0x0], $0xffff  }
0x9c: {  	v8 =	vld.idx.msk [tilespmem:v5+s11+$0x0], $0xffff  }
0x9d: {  	v5 =	vld.idx.msk [tilespmem:v3+s11+$0x0], $0xffff  }
.Ltmp6:
0x9e: {  	v3 =	vld.idx.msk [tilespmem:v0+s11+$0x0], $0xffff;
	(pc) =	sbr.rel @p0 .LBB2_14-.Ltmp6, $4  }
0x9f: {  	v0 =	vld.idx.msk [tilespmem:v1+s11+$0x0], $0xffff  }
0xa0: {  	s15 =	sadd.s32 $0x100, s15;
	v1 =	vld.idx.msk [tilespmem:v2+s11+$0x0], $0xffff  }
0xa1: {  	v2 =	vld.idx.msk [tilespmem:v4+s11+$0x0], $0xffff;
	[tilespmem:s15+$0x0] =	vst v6  }
0xa2: {  	s17 =	sadd.s32 $0x100, s17;
	v4 =	vld.idx.msk [tilespmem:v7+s11+$0x0], $0xffff;
	[tilespmem:s15+$0xFFFFFFA0] =	vst v8  }
0xa3: {  	[tilespmem:s15+$0xFFFFFFB0] =	vst v5  }
0xa4: {  	[tilespmem:s15+$0xFFFFFFC0] =	vst v3  }
0xa5: {  	[tilespmem:s15+$0xFFFFFFD0] =	vst v0  }
0xa6: {  	[tilespmem:s15+$0xFFFFFFE0] =	vst v1  }
0xa7: {  	s16 =	simm.s32 $0x8880;
	[tilespmem:s15+$0xFFFFFFF0] =	vst v2  }
0xa8: {  	s18 =	sadd.s32 $0x0, s7;
	s17 =	simm.s32 $0x8980;
	[tilespmem:s15+$0xFFFFFF90] =	vst v4;
	s15 =	simm.s32 $0x10  }
.LBB2_16:
0xa9: {  	[hbm4b:s18+s3] =	stream.linear.scatter [tilespmem:s16], [sflag:$0x4], $0x80, $0x38;
	[tilespmem:$0x10800] =	vst v63  }
0xaa: {  	s18 =	smov.u32 s15;
	s16 =	smov.u32 s17;
	p0 =	sne.s32 s15, $0x7F0  }
.Ltmp7:
0xab: {  	s15 =	sadd.s32 $0x10, s15;
	(pc) =	sbr.rel @p0 .LBB2_16-.Ltmp7, $2  }
0xac: {  	_ =	sdelay $0x2  }
0xad: {  	s17 =	sadd.s32 $0x100, s17;
	s18 =	sadd.s32 s18, s7  }
0xae: {  	[hbm4b:s18+s3] =	stream.linear.scatter [tilespmem:s16], [sflag:$0x4], $0x80, $0x38;
	[tilespmem:$0x10800] =	vst v63  }
0xaf: {  	s14 =	sadd.s32 $0x1, s14  }
0xb0: {  	_ =	swait.ge [sflag:s9], $0x4000;
	p0 =	sne.s32 s14, s8  }
.Ltmp8:
0xb1: {  	[sflag:s9] =	ssyncset.done $0x0;
	(pc) =	sbr.rel @p0 .LBB2_1-.Ltmp8, $4  }
0xb2: {  	[sflag:s9] =	ssyncadd.s32 $0xFFFFC000  }
0xb3: {  	_ =	swait.ge [sflag:s13], $0x4000  }
0xb4: {  	[sflag:s13] =	ssyncset.done $0x0  }
0xb5: {  	[sflag:s13] =	ssyncadd.s32 $0xFFFFC000  }
0xb6: {  	_ =	sfence.sel $0x180000  }
0xb7: {  	[bflag:$0x0] =	sbarrier.arrive $0xFFFF  }
0xb8: {  	p0 =	sne.s32 s1, $0x0;
	_ =	strace $0x90000047  }
0xb9: {  	s0 =	sadd.s32 @!p0 $0x100000, s0;
	[bflag:$0x2] =	sbarrier.arrive $0xFFFF  }
0xba: {  	[sflag:s0] =	ssyncadd.tile.s32 @!p0 $0x1;
	_ =	shalt  }
.Lfunc_end2:
_tile_overlayer_lowered:
.L_overlay_start_2:
0xbb: {  	(tag) =	ssettag $0x2  }
0xbc: {  	s0 =	rddreg [dreg:$0x0];
	s2 =	stileid.u32  }
0xbd: {  	s1 =	rddreg [dreg:$0x1];
	p0 =	sne.s32 s2, $0x0  }
0xbe: {  	s3 =	rddreg [dreg:$0x2];
	[bflag:$0x3] =	sbarrier.arrive $0xFFFF;
	s2 =	simm.s32 @!p0 $0x1C05  }
0xbf: {  	[timem:s3], [sflag:s2] =	dma.local @!p0 [hbm:s0], s1  }
0xc0: {  	s0 =	simm.s32 @!p0 $0x5  }
0xc1: {  	_ =	swait.ge @!p0 [sflag:s0], s1  }
0xc2: {  	s1 =	ssub.s32 @!p0 $0x0, s1;
	[sflag:s0] =	ssyncset.done @!p0 $0x0  }
0xc3: {  	[sflag:s0] =	ssyncadd.s32 @!p0 s1  }
0xc4: {  	[bflag:$0x3] =	sbarrier.arrive $0xFFFF  }
0xc5: {  	_ =	shalt  }

</sc_bundles>
